<compile_context>
chip_gen: v7x
topology: tpu7x:2x2x1
jax: 0.10.2.dev20260603
libtpu: 0.0.44.dev20260713+nightly
codegen_flags: <defaults>
</compile_context>

<pallas_src>
import jax
import jax.numpy as jnp
import numpy as np
from jax import lax
from jax.experimental import pallas as pl
from jax.experimental.pallas import tpu as pltpu
from jax.experimental.pallas import tpu_sc as plsc

_PERM64 = np.array([
    35, 45, 31, 63, 7, 4, 29, 44, 16, 58, 37, 19, 61, 2, 34, 5,
    30, 42, 3, 39, 56, 22, 6, 54, 18, 10, 11, 53, 32, 15, 49, 50,
    20, 43, 8, 24, 9, 40, 59, 25, 13, 52, 62, 60, 47, 33, 14, 17,
    38, 23, 0, 41, 21, 26, 57, 1, 28, 48, 36, 55, 51, 27, 12, 46,
], dtype=np.int32)

_NC = 2
_NS = 16
_NW = _NC * _NS
_L = 16

_N = 100000
_B = 65536
_K = 64
_S = 32
_CHUNK = 4096
_NCHUNK = _B // _CHUNK


def _sc_body(adjt_ref, ids_ref, pos_ref, out_ref,
             col_v, pos_v, ids_a, ids_b, out_a, out_b, ids_sh,
             csem, gsem_a, gsem_b, ssem_a, ssem_b, shsem):
    sid = lax.axis_index("s")
    wid = sid * _NC + lax.axis_index("c")
    pltpu.sync_copy(pos_ref, pos_v)
    grp = (wid // _L) * _L
    pv = pos_v[pl.ds(grp, _L)]
    lane = lax.iota(jnp.int32, _L)
    c = jnp.sum(jnp.where(lane == wid - grp, pv, 0))

    col_dma = pltpu.async_copy(adjt_ref.at[c], col_v, csem)

    @pl.when(sid == 0)
    def _stage_ids():
        pltpu.async_copy(ids_ref, ids_sh, shsem).wait()

    plsc.subcore_barrier()

    idbufs = (ids_a, ids_b)
    obufs = (out_a, out_b)
    gsems = (gsem_a, gsem_b)
    ssems = (ssem_a, ssem_b)

    def ids_copy(c, b):
        return pltpu.make_async_copy(
            ids_sh.at[pl.ds(c * _CHUNK, _CHUNK)], idbufs[b], gsems[b])

    def out_copy(c, b):
        return pltpu.make_async_copy(
            obufs[b], out_ref.at[wid, pl.ds(c * _CHUNK, _CHUNK)], ssems[b])

    ids_copy(0, 0).start()
    ids_copy(1, 1).start()
    col_dma.wait()

    def chunk_body(kk, carry):
        for b in range(2):
            c = kk * 2 + b
            ids_copy(c, b).wait()

            @pl.when(kk > 0)
            def _wait_out():
                out_copy(c, b).wait()

            idv = idbufs[b]
            ob = obufs[b]

            @plsc.parallel_loop(0, _CHUNK, step=_L, unroll=8)
            def grp_body(i, idv=idv, ob=ob):
                idx = idv[pl.ds(i, _L)]
                ob[pl.ds(i, _L)] = plsc.load_gather(col_v, [idx])

            out_copy(c, b).start()

            @pl.when(c + 2 < _NCHUNK)
            def _next_ids():
                ids_copy(c + 2, b).start()
        return carry

    lax.fori_loop(0, _NCHUNK // 2, chunk_body, 0)
    out_copy(_NCHUNK - 2, 0).wait()
    out_copy(_NCHUNK - 1, 1).wait()


def _sc_gather(adjt, ids, pos):
    mesh = plsc.VectorSubcoreMesh(
        core_axis_name="c", subcore_axis_name="s",
        num_cores=_NC, num_subcores=_NS)
    i32 = jnp.int32
    return pl.kernel(
        _sc_body,
        out_type=jax.ShapeDtypeStruct((_S, _B), i32),
        mesh=mesh,
        compiler_params=pltpu.CompilerParams(
            needs_layout_passes=False, use_tc_tiling_on_sc=True),
        scratch_types=[
            pltpu.VMEM((_N,), i32),
            pltpu.VMEM((_S,), i32),
            pltpu.VMEM((_CHUNK,), i32),
            pltpu.VMEM((_CHUNK,), i32),
            pltpu.VMEM((_CHUNK,), i32),
            pltpu.VMEM((_CHUNK,), i32),
            pltpu.VMEM_SHARED((_B,), i32),
            pltpu.SemaphoreType.DMA,
            pltpu.SemaphoreType.DMA,
            pltpu.SemaphoreType.DMA,
            pltpu.SemaphoreType.DMA,
            pltpu.SemaphoreType.DMA,
            pltpu.SemaphoreType.DMA,
        ],
    )(adjt, ids, pos)


def kernel(ids, num_samples, adj_info):
    perm = jnp.asarray(_PERM64, jnp.int32)
    cols = perm[jnp.minimum(jnp.arange(_S), num_samples - 1)].astype(jnp.int32)
    out_t = _sc_gather(adj_info.T.astype(jnp.int32), ids.astype(jnp.int32),
                       cols)
    return out_t.T.astype(adj_info.dtype)

# --- scband reference (transcript-rebuilt; emitter-appended) ---
"""Pipeline reference for scband-uniform-neighbor-sampler-28003186770124 (READ-ONLY COPY).

The authoritative reference and input builder live on the scoring server;
editing this copy changes nothing except your own understanding.
"""

import jax, jax.numpy as jnp
import numpy as np

N_NODES = 100000
K = 64
B = 65536


def setup_inputs(seed: int = 0) -> dict:
    key = jax.random.key(seed)
    k1, k2 = jax.random.split(key)
    # Learned/preprocessed state: padded adjacency table [n_nodes, K]
    adj_info = jax.random.randint(k1, (N_NODES, K), 0, N_NODES).astype(jnp.int64)
    # Forward args
    ids = jax.random.randint(k2, (B,), 0, N_NODES).astype(jnp.int64)
    num_samples = 32
    return {"ids": ids, "num_samples": num_samples, "adj_info": adj_info}


def reference(ids, num_samples, adj_info):
    # adj_lists = self.adj_info[ids, :]  (row gather)
    adj_lists = jnp.take(adj_info, ids, axis=0)
    if adj_lists.shape[0] == 0:
        return adj_lists
    # shuf_ids = torch.randperm(adj_lists.shape[1]); fixed key for determinism
    shuf_ids = jax.random.permutation(jax.random.key(42), adj_lists.shape[1])
    adj_lists = jnp.take(adj_lists, shuf_ids, axis=1)
    col_ids = jnp.minimum(jnp.arange(32), num_samples - 1)
    adj_lists = jnp.take(adj_lists, col_ids, axis=1)
    return adj_lists

if __name__ == "__main__":
    import jax
    _d = setup_inputs()
    print(jax.jit(kernel)(*tuple(_d.values())))

</pallas_src>

<mosaic_0001>
#map = affine_map<(d0, d1) -> (0, 0)>
#map1 = affine_map<(d0, d1) -> (0)>
module attributes {stable_mosaic.version = 14 : i64} {
  func.func @_sc_body(%arg0: i32, %arg1: i32, %arg2: memref<64x100000xi32, #tpu.memory_space<hbm>>, %arg3: memref<65536xi32, #tpu.memory_space<hbm>>, %arg4: memref<32xi32, #tpu.memory_space<hbm>>, %arg5: memref<32x65536xi32, #tpu.memory_space<hbm>>, %arg6: memref<100000xi32, #tpu.memory_space<vmem>>, %arg7: memref<32xi32, #tpu.memory_space<vmem>>, %arg8: memref<4096xi32, #tpu.memory_space<vmem>>, %arg9: memref<4096xi32, #tpu.memory_space<vmem>>, %arg10: memref<4096xi32, #tpu.memory_space<vmem>>, %arg11: memref<4096xi32, #tpu.memory_space<vmem>>, %arg12: memref<65536xi32, #tpu.memory_space<vmem_shared>>, %arg13: memref<!tpu.dma_semaphore, #tpu.memory_space<semaphore_mem>>, %arg14: memref<!tpu.dma_semaphore, #tpu.memory_space<semaphore_mem>>, %arg15: memref<!tpu.dma_semaphore, #tpu.memory_space<semaphore_mem>>, %arg16: memref<!tpu.dma_semaphore, #tpu.memory_space<semaphore_mem>>, %arg17: memref<!tpu.dma_semaphore, #tpu.memory_space<semaphore_mem>>, %arg18: memref<!tpu.dma_semaphore, #tpu.memory_space<semaphore_mem>>) attributes {dimension_semantics = [#tpu.dimension_semantics<core_parallel>, #tpu.dimension_semantics<subcore_parallel>], iteration_bounds = array<i64: 2, 16>, scalar_prefetch = 0 : i64, scratch_operands = 13 : i64, tpu.core_type = #tpu.core_type<sc_vector_subcore>, window_params = [{transform_indices = #map}, {transform_indices = #map1}, {transform_indices = #map1}, {transform_indices = #map}]} {
    %mul3A = arith.constant 2 : i32
    %mul3A_0 = arith.muli %arg1, %mul3A : i32
    %add3A = arith.addi %mul3A_0, %arg0 : i32
    "tpu.region"() ({
      %run_scoped3A = tpu.sem_alloc : memref<!tpu.dma_semaphore, #tpu.memory_space<semaphore_mem>>
      tpu.enqueue_dma source(%arg4 : memref<32xi32, #tpu.memory_space<hbm>>) target(%arg7 : memref<32xi32, #tpu.memory_space<vmem>>) target_semaphore(%run_scoped3A : memref<!tpu.dma_semaphore, #tpu.memory_space<semaphore_mem>>)
      tpu.wait_dma2 semaphore(%run_scoped3A : memref<!tpu.dma_semaphore, #tpu.memory_space<semaphore_mem>>) src(%arg4 : memref<32xi32, #tpu.memory_space<hbm>>) dst(%arg7 : memref<32xi32, #tpu.memory_space<vmem>>)
      tpu.yield
    }) : () -> ()
    %jit3A = arith.constant 16 : i32
    %div3A = arith.divsi %add3A, %jit3A : i32
    %sign3A = arith.constant 0 : i32
    %sign3A_1 = arith.cmpi sgt, %add3A, %sign3A : i32
    %sign3A_2 = arith.extui %sign3A_1 : i1 to i32
    %sign3A_3 = arith.constant 0 : i32
    %sign3A_4 = arith.cmpi slt, %add3A, %sign3A_3 : i32
    %sign3A_5 = arith.extui %sign3A_4 : i1 to i32
    %sign3A_6 = arith.subi %sign3A_2, %sign3A_5 : i32
    %sign3A_7 = arith.constant 0 : i32
    %sign3A_8 = arith.cmpi sgt, %jit3A, %sign3A_7 : i32
    %sign3A_9 = arith.extui %sign3A_8 : i1 to i32
    %sign3A_10 = arith.constant 0 : i32
    %sign3A_11 = arith.cmpi slt, %jit3A, %sign3A_10 : i32
    %sign3A_12 = arith.extui %sign3A_11 : i1 to i32
    %sign3A_13 = arith.subi %sign3A_9, %sign3A_12 : i32
    %ne3A = arith.cmpi ne, %sign3A_6, %sign3A_13 : i32
    %rem3A = arith.remsi %add3A, %jit3A : i32
    %ne3A_14 = arith.constant 0 : i32
    %ne3A_15 = arith.cmpi ne, %rem3A, %ne3A_14 : i32
    %and3A = arith.andi %ne3A, %ne3A_15 : i1
    %sub3A = arith.constant 1 : i32
    %sub3A_16 = arith.subi %div3A, %sub3A : i32
    %select_n3A = arith.select %and3A, %sub3A_16, %div3A : i32
    %mul3A_17 = arith.constant 16 : i32
    %mul3A_18 = arith.muli %select_n3A, %mul3A_17 : i32
    %get3A = arith.index_cast %mul3A_18 : i32 to index
    %get3A_19 = tpu.vector_load %arg7[%get3A] {strides = array<i32>} : memref<32xi32, #tpu.memory_space<vmem>>, vector<16xi32>,
    %iota3A = tpu.iota {dimensions = array<i32: 0>} : vector<16xi32>
    %sub3A_20 = arith.subi %add3A, %mul3A_18 : i32
    %eq3A = vector.broadcast %sub3A_20 : i32 to vector<16xi32>
    %eq3A_21 = arith.cmpi eq, %iota3A, %eq3A : vector<16xi32>
    %jit3A_22 = arith.constant 0 : i32
    %broadcast_in_dim3A = vector.broadcast %jit3A_22 : i32 to vector<16xi32>
    %select_n3A_23 = arith.select %eq3A_21, %get3A_19, %broadcast_in_dim3A : vector<16xi1>, vector<16xi32>
    %reduce_sum3A = arith.constant true
    %reduce_sum3A_24 = vector.broadcast %reduce_sum3A : i1 to vector<16xi1>
    %reduce_sum3A_25 = tpu.scan <sum>, %select_n3A_23 masked %reduce_sum3A_24 : vector<16xi32>, vector<16xi1> -> vector<16xi32>
    %reduce_sum3A_26 = vector.extract %reduce_sum3A_25[15] : i32 from vector<16xi32>
    %dma_start3A = arith.constant 0 : i32
    %dma_start3A_27 = tpu.memref_slice %arg2[%reduce_sum3A_26, %dma_start3A] : memref<64x100000xi32, #tpu.memory_space<hbm>> -> memref<1x100000xi32, #tpu.memory_space<hbm>>
    %dma_start3A_28 = tpu.memref_squeeze %dma_start3A_27 : memref<1x100000xi32, #tpu.memory_space<hbm>> -> memref<100000xi32, #tpu.memory_space<hbm>>
    %dma_start3A_29 = arith.constant 0 : i32
    %dma_start3A_30 = tpu.memref_slice %arg2[%reduce_sum3A_26, %dma_start3A_29] : memref<64x100000xi32, #tpu.memory_space<hbm>> -> memref<1x100000xi32, #tpu.memory_space<hbm>>
    %dma_start3A_31 = tpu.memref_squeeze %dma_start3A_30 : memref<1x100000xi32, #tpu.memory_space<hbm>> -> memref<100000xi32, #tpu.memory_space<hbm>>
    tpu.enqueue_dma source(%dma_start3A_31 : memref<100000xi32, #tpu.memory_space<hbm>>) target(%arg6 : memref<100000xi32, #tpu.memory_space<vmem>>) target_semaphore(%arg13 : memref<!tpu.dma_semaphore, #tpu.memory_space<semaphore_mem>>)
    %eq3A_32 = arith.constant 0 : i32
    %eq3A_33 = arith.cmpi eq, %arg1, %eq3A_32 : i32
    %convert_element_type3A = arith.extui %eq3A_33 : i1 to i32
    %cond3A = arith.constant 0 : i32
    %cond3A_34 = arith.cmpi ne, %convert_element_type3A, %cond3A : i32
    scf.if %cond3A_34 {
      tpu.enqueue_dma source(%arg3 : memref<65536xi32, #tpu.memory_space<hbm>>) target(%arg12 : memref<65536xi32, #tpu.memory_space<vmem_shared>>) target_semaphore(%arg18 : memref<!tpu.dma_semaphore, #tpu.memory_space<semaphore_mem>>)
      tpu.wait_dma2 semaphore(%arg18 : memref<!tpu.dma_semaphore, #tpu.memory_space<semaphore_mem>>) src(%arg3 : memref<65536xi32, #tpu.memory_space<hbm>>) dst(%arg12 : memref<65536xi32, #tpu.memory_space<vmem_shared>>)
    } else {
    }
    %barrier3A = arith.constant 0 : index
    tpu.barrier barrier_id(%barrier3A)
    %dma_start3A_35 = arith.constant 0 : i32
    %dma_start3A_36 = tpu.memref_slice %arg12[%dma_start3A_35] : memref<65536xi32, #tpu.memory_space<vmem_shared>> -> memref<4096xi32, #tpu.memory_space<vmem_shared>>
    %dma_start3A_37 = arith.constant 0 : i32
    %dma_start3A_38 = tpu.memref_slice %arg12[%dma_start3A_37] : memref<65536xi32, #tpu.memory_space<vmem_shared>> -> memref<4096xi32, #tpu.memory_space<vmem_shared>>
    tpu.enqueue_dma source(%dma_start3A_38 : memref<4096xi32, #tpu.memory_space<vmem_shared>>) target(%arg8 : memref<4096xi32, #tpu.memory_space<vmem>>) target_semaphore(%arg14 : memref<!tpu.dma_semaphore, #tpu.memory_space<semaphore_mem>>)
    %dma_start3A_39 = arith.constant 4096 : i32
    %dma_start3A_40 = tpu.memref_slice %arg12[%dma_start3A_39] : memref<65536xi32, #tpu.memory_space<vmem_shared>> -> memref<4096xi32, #tpu.memory_space<vmem_shared>>
    %dma_start3A_41 = arith.constant 4096 : i32
    %dma_start3A_42 = tpu.memref_slice %arg12[%dma_start3A_41] : memref<65536xi32, #tpu.memory_space<vmem_shared>> -> memref<4096xi32, #tpu.memory_space<vmem_shared>>
    tpu.enqueue_dma source(%dma_start3A_42 : memref<4096xi32, #tpu.memory_space<vmem_shared>>) target(%arg9 : memref<4096xi32, #tpu.memory_space<vmem>>) target_semaphore(%arg15 : memref<!tpu.dma_semaphore, #tpu.memory_space<semaphore_mem>>)
    %dma_wait3A = arith.constant 0 : i32
    %dma_wait3A_43 = tpu.memref_slice %arg2[%reduce_sum3A_26, %dma_wait3A] : memref<64x100000xi32, #tpu.memory_space<hbm>> -> memref<1x100000xi32, #tpu.memory_space<hbm>>
    %dma_wait3A_44 = tpu.memref_squeeze %dma_wait3A_43 : memref<1x100000xi32, #tpu.memory_space<hbm>> -> memref<100000xi32, #tpu.memory_space<hbm>>
    %dma_wait3A_45 = arith.constant 0 : i32
    %dma_wait3A_46 = tpu.memref_slice %arg2[%reduce_sum3A_26, %dma_wait3A_45] : memref<64x100000xi32, #tpu.memory_space<hbm>> -> memref<1x100000xi32, #tpu.memory_space<hbm>>
    %dma_wait3A_47 = tpu.memref_squeeze %dma_wait3A_46 : memref<1x100000xi32, #tpu.memory_space<hbm>> -> memref<100000xi32, #tpu.memory_space<hbm>>
    tpu.wait_dma2 semaphore(%arg13 : memref<!tpu.dma_semaphore, #tpu.memory_space<semaphore_mem>>) src(%dma_wait3A_47 : memref<100000xi32, #tpu.memory_space<hbm>>) dst(%arg6 : memref<100000xi32, #tpu.memory_space<vmem>>)
    %scan3A = arith.constant 0 : i32
    %scan3A_48 = arith.constant 0 : i32
    %scan3A_49 = arith.constant 8 : i32
    %scan3A_50 = arith.addi %scan3A_48, %scan3A_49 : i32
    %scan3A_51 = arith.constant 1 : i32
    scf.for %scan3A_65 = %scan3A_48 to %scan3A_50 step %scan3A_51  : i32 {
      %mul3A_66 = arith.constant 2 : i32
      %mul3A_67 = arith.muli %scan3A_65, %mul3A_66 : i32
      %add3A_68 = arith.constant 0 : i32
      %add3A_69 = arith.addi %mul3A_67, %add3A_68 : i32
      %mul3A_70 = arith.constant 4096 : i32
      %mul3A_71 = arith.muli %add3A_69, %mul3A_70 : i32
      %dma_wait3A_72 = tpu.memref_slice %arg12[%mul3A_71] : memref<65536xi32, #tpu.memory_space<vmem_shared>> -> memref<4096xi32, #tpu.memory_space<vmem_shared>>
      %dma_wait3A_73 = tpu.memref_slice %arg12[%mul3A_71] : memref<65536xi32, #tpu.memory_space<vmem_shared>> -> memref<4096xi32, #tpu.memory_space<vmem_shared>>
      tpu.wait_dma2 semaphore(%arg14 : memref<!tpu.dma_semaphore, #tpu.memory_space<semaphore_mem>>) src(%dma_wait3A_73 : memref<4096xi32, #tpu.memory_space<vmem_shared>>) dst(%arg8 : memref<4096xi32, #tpu.memory_space<vmem>>)
      %gt3A = arith.constant 0 : i32
      %gt3A_74 = arith.cmpi sgt, %scan3A_65, %gt3A : i32
      %convert_element_type3A_75 = arith.extui %gt3A_74 : i1 to i32
      %cond3A_76 = arith.constant 0 : i32
      %cond3A_77 = arith.cmpi ne, %convert_element_type3A_75, %cond3A_76 : i32
      scf.if %cond3A_77 {
        %mul3A_121 = arith.constant 4096 : i32
        %mul3A_122 = arith.muli %add3A_69, %mul3A_121 : i32
        %dma_wait3A_123 = tpu.memref_slice %arg5[%add3A, %mul3A_122] : memref<32x65536xi32, #tpu.memory_space<hbm>> -> memref<1x4096xi32, #tpu.memory_space<hbm>>
        %dma_wait3A_124 = tpu.memref_squeeze %dma_wait3A_123 : memref<1x4096xi32, #tpu.memory_space<hbm>> -> memref<4096xi32, #tpu.memory_space<hbm>>
        %dma_wait3A_125 = tpu.memref_slice %arg5[%add3A, %mul3A_122] : memref<32x65536xi32, #tpu.memory_space<hbm>> -> memref<1x4096xi32, #tpu.memory_space<hbm>>
        %dma_wait3A_126 = tpu.memref_squeeze %dma_wait3A_125 : memref<1x4096xi32, #tpu.memory_space<hbm>> -> memref<4096xi32, #tpu.memory_space<hbm>>
        tpu.wait_dma2 semaphore(%arg16 : memref<!tpu.dma_semaphore, #tpu.memory_space<semaphore_mem>>) src(%arg10 : memref<4096xi32, #tpu.memory_space<vmem>>) dst(%dma_wait3A_126 : memref<4096xi32, #tpu.memory_space<hbm>>)
      } else {
      }
      %parallel_loop3A = arith.constant 0 : i32
      %parallel_loop3A_78 = arith.constant 4096 : i32
      %parallel_loop3A_79 = arith.constant 16 : i32
      scf.for %parallel_loop3A_121 = %parallel_loop3A to %parallel_loop3A_78 step %parallel_loop3A_79  : i32 {
        %parallel_loop3A_122 = arith.index_cast %parallel_loop3A_121 : i32 to index
        %parallel_loop3A_123 = tpu.vector_load %arg8[%parallel_loop3A_122] {strides = array<i32>} : memref<4096xi32, #tpu.memory_space<vmem>>, vector<16xi32>,
        %parallel_loop3A_124 = tpu.vector_load_idx %arg6[%parallel_loop3A_123] : memref<100000xi32, #tpu.memory_space<vmem>>[vector<16xi32>], vector<16xi32>,
        %parallel_loop3A_125 = arith.index_cast %parallel_loop3A_121 : i32 to index
        %parallel_loop3A_126 = tpu.vector_load %arg10[%parallel_loop3A_125] {strides = array<i32>} : memref<4096xi32, #tpu.memory_space<vmem>>, vector<16xi32>,
        tpu.vector_store %arg10[%parallel_loop3A_125], %parallel_loop3A_124 {strides = array<i32>} : memref<4096xi32, #tpu.memory_space<vmem>>, vector<16xi32>,
      } {sc.loop_unroll_factor = 8 : i64, sc.parallel_access}
      %mul3A_80 = arith.constant 4096 : i32
      %mul3A_81 = arith.muli %add3A_69, %mul3A_80 : i32
      %dma_start3A_82 = tpu.memref_slice %arg5[%add3A, %mul3A_81] : memref<32x65536xi32, #tpu.memory_space<hbm>> -> memref<1x4096xi32, #tpu.memory_space<hbm>>
      %dma_start3A_83 = tpu.memref_squeeze %dma_start3A_82 : memref<1x4096xi32, #tpu.memory_space<hbm>> -> memref<4096xi32, #tpu.memory_space<hbm>>
      %dma_start3A_84 = tpu.memref_slice %arg5[%add3A, %mul3A_81] : memref<32x65536xi32, #tpu.memory_space<hbm>> -> memref<1x4096xi32, #tpu.memory_space<hbm>>
      %dma_start3A_85 = tpu.memref_squeeze %dma_start3A_84 : memref<1x4096xi32, #tpu.memory_space<hbm>> -> memref<4096xi32, #tpu.memory_space<hbm>>
      tpu.enqueue_dma source(%arg10 : memref<4096xi32, #tpu.memory_space<vmem>>) target(%dma_start3A_85 : memref<4096xi32, #tpu.memory_space<hbm>>) target_semaphore(%arg16 : memref<!tpu.dma_semaphore, #tpu.memory_space<semaphore_mem>>)
      %add3A_86 = arith.constant 2 : i32
      %add3A_87 = arith.addi %add3A_69, %add3A_86 : i32
      %lt3A = arith.constant 16 : i32
      %lt3A_88 = arith.cmpi slt, %add3A_87, %lt3A : i32
      %convert_element_type3A_89 = arith.extui %lt3A_88 : i1 to i32
      %cond3A_90 = arith.constant 0 : i32
      %cond3A_91 = arith.cmpi ne, %convert_element_type3A_89, %cond3A_90 : i32
      scf.if %cond3A_91 {
        %add3A_121 = arith.constant 2 : i32
        %add3A_122 = arith.addi %add3A_69, %add3A_121 : i32
        %mul3A_123 = arith.constant 4096 : i32
        %mul3A_124 = arith.muli %add3A_122, %mul3A_123 : i32
        %dma_start3A_125 = tpu.memref_slice %arg12[%mul3A_124] : memref<65536xi32, #tpu.memory_space<vmem_shared>> -> memref<4096xi32, #tpu.memory_space<vmem_shared>>
        %dma_start3A_126 = tpu.memref_slice %arg12[%mul3A_124] : memref<65536xi32, #tpu.memory_space<vmem_shared>> -> memref<4096xi32, #tpu.memory_space<vmem_shared>>
        tpu.enqueue_dma source(%dma_start3A_126 : memref<4096xi32, #tpu.memory_space<vmem_shared>>) target(%arg8 : memref<4096xi32, #tpu.memory_space<vmem>>) target_semaphore(%arg14 : memref<!tpu.dma_semaphore, #tpu.memory_space<semaphore_mem>>)
      } else {
      }
      %mul3A_92 = arith.constant 2 : i32
      %mul3A_93 = arith.muli %scan3A_65, %mul3A_92 : i32
      %add3A_94 = arith.constant 1 : i32
      %add3A_95 = arith.addi %mul3A_93, %add3A_94 : i32
      %mul3A_96 = arith.constant 4096 : i32
      %mul3A_97 = arith.muli %add3A_95, %mul3A_96 : i32
      %dma_wait3A_98 = tpu.memref_slice %arg12[%mul3A_97] : memref<65536xi32, #tpu.memory_space<vmem_shared>> -> memref<4096xi32, #tpu.memory_space<vmem_shared>>
      %dma_wait3A_99 = tpu.memref_slice %arg12[%mul3A_97] : memref<65536xi32, #tpu.memory_space<vmem_shared>> -> memref<4096xi32, #tpu.memory_space<vmem_shared>>
      tpu.wait_dma2 semaphore(%arg15 : memref<!tpu.dma_semaphore, #tpu.memory_space<semaphore_mem>>) src(%dma_wait3A_99 : memref<4096xi32, #tpu.memory_space<vmem_shared>>) dst(%arg9 : memref<4096xi32, #tpu.memory_space<vmem>>)
      %gt3A_100 = arith.constant 0 : i32
      %gt3A_101 = arith.cmpi sgt, %scan3A_65, %gt3A_100 : i32
      %convert_element_type3A_102 = arith.extui %gt3A_101 : i1 to i32
      %cond3A_103 = arith.constant 0 : i32
      %cond3A_104 = arith.cmpi ne, %convert_element_type3A_102, %cond3A_103 : i32
      scf.if %cond3A_104 {
        %mul3A_121 = arith.constant 4096 : i32
        %mul3A_122 = arith.muli %add3A_95, %mul3A_121 : i32
        %dma_wait3A_123 = tpu.memref_slice %arg5[%add3A, %mul3A_122] : memref<32x65536xi32, #tpu.memory_space<hbm>> -> memref<1x4096xi32, #tpu.memory_space<hbm>>
        %dma_wait3A_124 = tpu.memref_squeeze %dma_wait3A_123 : memref<1x4096xi32, #tpu.memory_space<hbm>> -> memref<4096xi32, #tpu.memory_space<hbm>>
        %dma_wait3A_125 = tpu.memref_slice %arg5[%add3A, %mul3A_122] : memref<32x65536xi32, #tpu.memory_space<hbm>> -> memref<1x4096xi32, #tpu.memory_space<hbm>>
        %dma_wait3A_126 = tpu.memref_squeeze %dma_wait3A_125 : memref<1x4096xi32, #tpu.memory_space<hbm>> -> memref<4096xi32, #tpu.memory_space<hbm>>
        tpu.wait_dma2 semaphore(%arg17 : memref<!tpu.dma_semaphore, #tpu.memory_space<semaphore_mem>>) src(%arg11 : memref<4096xi32, #tpu.memory_space<vmem>>) dst(%dma_wait3A_126 : memref<4096xi32, #tpu.memory_space<hbm>>)
      } else {
      }
      %parallel_loop3A_105 = arith.constant 0 : i32
      %parallel_loop3A_106 = arith.constant 4096 : i32
      %parallel_loop3A_107 = arith.constant 16 : i32
      scf.for %parallel_loop3A_121 = %parallel_loop3A_105 to %parallel_loop3A_106 step %parallel_loop3A_107  : i32 {
        %parallel_loop3A_122 = arith.index_cast %parallel_loop3A_121 : i32 to index
        %parallel_loop3A_123 = tpu.vector_load %arg9[%parallel_loop3A_122] {strides = array<i32>} : memref<4096xi32, #tpu.memory_space<vmem>>, vector<16xi32>,
        %parallel_loop3A_124 = tpu.vector_load_idx %arg6[%parallel_loop3A_123] : memref<100000xi32, #tpu.memory_space<vmem>>[vector<16xi32>], vector<16xi32>,
        %parallel_loop3A_125 = arith.index_cast %parallel_loop3A_121 : i32 to index
        %parallel_loop3A_126 = tpu.vector_load %arg11[%parallel_loop3A_125] {strides = array<i32>} : memref<4096xi32, #tpu.memory_space<vmem>>, vector<16xi32>,
        tpu.vector_store %arg11[%parallel_loop3A_125], %parallel_loop3A_124 {strides = array<i32>} : memref<4096xi32, #tpu.memory_space<vmem>>, vector<16xi32>,
      } {sc.loop_unroll_factor = 8 : i64, sc.parallel_access}
      %mul3A_108 = arith.constant 4096 : i32
      %mul3A_109 = arith.muli %add3A_95, %mul3A_108 : i32
      %dma_start3A_110 = tpu.memref_slice %arg5[%add3A, %mul3A_109] : memref<32x65536xi32, #tpu.memory_space<hbm>> -> memref<1x4096xi32, #tpu.memory_space<hbm>>
      %dma_start3A_111 = tpu.memref_squeeze %dma_start3A_110 : memref<1x4096xi32, #tpu.memory_space<hbm>> -> memref<4096xi32, #tpu.memory_space<hbm>>
      %dma_start3A_112 = tpu.memref_slice %arg5[%add3A, %mul3A_109] : memref<32x65536xi32, #tpu.memory_space<hbm>> -> memref<1x4096xi32, #tpu.memory_space<hbm>>
      %dma_start3A_113 = tpu.memref_squeeze %dma_start3A_112 : memref<1x4096xi32, #tpu.memory_space<hbm>> -> memref<4096xi32, #tpu.memory_space<hbm>>
      tpu.enqueue_dma source(%arg11 : memref<4096xi32, #tpu.memory_space<vmem>>) target(%dma_start3A_113 : memref<4096xi32, #tpu.memory_space<hbm>>) target_semaphore(%arg17 : memref<!tpu.dma_semaphore, #tpu.memory_space<semaphore_mem>>)
      %add3A_114 = arith.constant 2 : i32
      %add3A_115 = arith.addi %add3A_95, %add3A_114 : i32
      %lt3A_116 = arith.constant 16 : i32
      %lt3A_117 = arith.cmpi slt, %add3A_115, %lt3A_116 : i32
      %convert_element_type3A_118 = arith.extui %lt3A_117 : i1 to i32
      %cond3A_119 = arith.constant 0 : i32
      %cond3A_120 = arith.cmpi ne, %convert_element_type3A_118, %cond3A_119 : i32
      scf.if %cond3A_120 {
        %add3A_121 = arith.constant 2 : i32
        %add3A_122 = arith.addi %add3A_95, %add3A_121 : i32
        %mul3A_123 = arith.constant 4096 : i32
        %mul3A_124 = arith.muli %add3A_122, %mul3A_123 : i32
        %dma_start3A_125 = tpu.memref_slice %arg12[%mul3A_124] : memref<65536xi32, #tpu.memory_space<vmem_shared>> -> memref<4096xi32, #tpu.memory_space<vmem_shared>>
        %dma_start3A_126 = tpu.memref_slice %arg12[%mul3A_124] : memref<65536xi32, #tpu.memory_space<vmem_shared>> -> memref<4096xi32, #tpu.memory_space<vmem_shared>>
        tpu.enqueue_dma source(%dma_start3A_126 : memref<4096xi32, #tpu.memory_space<vmem_shared>>) target(%arg9 : memref<4096xi32, #tpu.memory_space<vmem>>) target_semaphore(%arg15 : memref<!tpu.dma_semaphore, #tpu.memory_space<semaphore_mem>>)
      } else {
      }
    }
    %scan3A_52 = arith.constant 8 : i32
    %dma_wait3A_53 = arith.constant 57344 : i32
    %dma_wait3A_54 = tpu.memref_slice %arg5[%add3A, %dma_wait3A_53] : memref<32x65536xi32, #tpu.memory_space<hbm>> -> memref<1x4096xi32, #tpu.memory_space<hbm>>
    %dma_wait3A_55 = tpu.memref_squeeze %dma_wait3A_54 : memref<1x4096xi32, #tpu.memory_space<hbm>> -> memref<4096xi32, #tpu.memory_space<hbm>>
    %dma_wait3A_56 = arith.constant 57344 : i32
    %dma_wait3A_57 = tpu.memref_slice %arg5[%add3A, %dma_wait3A_56] : memref<32x65536xi32, #tpu.memory_space<hbm>> -> memref<1x4096xi32, #tpu.memory_space<hbm>>
    %dma_wait3A_58 = tpu.memref_squeeze %dma_wait3A_57 : memref<1x4096xi32, #tpu.memory_space<hbm>> -> memref<4096xi32, #tpu.memory_space<hbm>>
    tpu.wait_dma2 semaphore(%arg16 : memref<!tpu.dma_semaphore, #tpu.memory_space<semaphore_mem>>) src(%arg10 : memref<4096xi32, #tpu.memory_space<vmem>>) dst(%dma_wait3A_58 : memref<4096xi32, #tpu.memory_space<hbm>>)
    %dma_wait3A_59 = arith.constant 61440 : i32
    %dma_wait3A_60 = tpu.memref_slice %arg5[%add3A, %dma_wait3A_59] : memref<32x65536xi32, #tpu.memory_space<hbm>> -> memref<1x4096xi32, #tpu.memory_space<hbm>>
    %dma_wait3A_61 = tpu.memref_squeeze %dma_wait3A_60 : memref<1x4096xi32, #tpu.memory_space<hbm>> -> memref<4096xi32, #tpu.memory_space<hbm>>
    %dma_wait3A_62 = arith.constant 61440 : i32
    %dma_wait3A_63 = tpu.memref_slice %arg5[%add3A, %dma_wait3A_62] : memref<32x65536xi32, #tpu.memory_space<hbm>> -> memref<1x4096xi32, #tpu.memory_space<hbm>>
    %dma_wait3A_64 = tpu.memref_squeeze %dma_wait3A_63 : memref<1x4096xi32, #tpu.memory_space<hbm>> -> memref<4096xi32, #tpu.memory_space<hbm>>
    tpu.wait_dma2 semaphore(%arg17 : memref<!tpu.dma_semaphore, #tpu.memory_space<semaphore_mem>>) src(%arg11 : memref<4096xi32, #tpu.memory_space<vmem>>) dst(%dma_wait3A_64 : memref<4096xi32, #tpu.memory_space<hbm>>)
    return
  }
}

</mosaic_0001>

<sc_bundles>
// kernel: kernel.3.cloned.1.call-start
scs
__scs_entry_jumppad:
0x0: {  	(pc) =	sbr.rel $0x88, $3  }
0x1: {  	(tag) =	ssettag $0x0;
	lr =	simm.s32 $0x1  }
0x2: {  	[smem:$0x3F9E] =	sst lr;
	_ =	strace $0xD0000000  }
0x3: {  	_ = 	snop  }
0x4: {  	_ = 	snop  }
0x5: {  	_ = 	snop  }
0x6: {  	_ = 	snop  }
0x7: {  	_ = 	snop  }
__scs_overlays_trampoline_lowered:
0x8: {  	[smem:$0x3FAD] =	sst s0  }
0x9: {  	[smem:$0x3FAE] =	sst s1  }
0xa: {  	[smem:$0x3FAF] =	sst s2  }
0xb: {  	[smem:$0x3FB0] =	sst s3  }
0xc: {  	[smem:$0x3FB1] =	sst s4  }
0xd: {  	[smem:$0x3FB2] =	sst s5  }
0xe: {  	[smem:$0x3FB3] =	sst s6  }
0xf: {  	[smem:$0x3FB4] =	sst s7  }
0x10: {  	[smem:$0x3FB5] =	sst s8  }
0x11: {  	[smem:$0x3FB6] =	sst s9;
	s0 =	simm.s32 @!p0 $0x0  }
0x12: {  	s1 =	sld [smem:$0x3F9C];
	s0 =	simm.s32 @p0 $0x1  }
0x13: {  	[smem:$0x3FB7] =	sst s0;
	s0 =	simm.s32 @!p1 $0x0  }
0x14: {  	s2 =	sld [smem:$0x3F9B];
	s0 =	simm.s32 @p1 $0x1  }
0x15: {  	[smem:$0x3FB8] =	sst s0;
	s0 =	simm.s32 @!p2 $0x0  }
0x16: {  	s3 =	sld [smem:$0x3FDB];
	s0 =	simm.s32 @p2 $0x1  }
0x17: {  	s4 =	simm.s32 $0x1BF5;
	[smem:$0x3FBA] =	sst s0  }
0x18: {  	s0 =	sld [smem:$0x3F9D];
	_ =	swait.ge [sflag:s4], $0x0  }
0x19: {  	s7 =	sld [smem:$0x3F9E]  }
0x1a: {  	s8 =	sadd.s32 $0xFFFFE003, lr  }
0x1b: {  	s9 =	sadd.s32 $0xFFFFFEF7, lr;
	s5 =	simm.s32 $0xFFFFFFFF;
	p2 =	slt.u32 s8, $0xFFFFF086  }
0x1c: {  	p1 =	slt.u32 s9, $0xF7A;
	s5 =	simm.s32 @!p2 $0x0  }
0x1d: {  	s5 =	simm.s32 @p1 $0x1;
	p0 =	seq.s32 s7, s2  }
0x1e: {  	s7 =	smul.u32 @!p0 $0xF7A, s2;
	p2 =	seq.s32 @!p0 s5, $0x0  }
0x1f: {  	s9 =	smul.u32 $0xF7A, s1;
	s8 =	simm.s32 @!p0 $0x1BF5;
	p2 =	por !p2, p0  }
0x20: {  	[sflag:s8] =	ssyncset.s32 @!p0 $0xFFFFF086;
	s6 =	sadd.s32 @!p0 s3, s7;
	s7 =	simm.s32 @!p0 $0x108  }
0x21: {  	s3 =	sadd.s32 s3, s9;
	s6 =	sadd.s32 @!p0 $0x88, s6;
	s7 =	simm.s32 @p2 $0x1082  }
0x22: {  	[simem:s7], [sflag:s8] =	dma.local @!p0 [hbm:s6], $0xF7A  }
0x23: {  	s9 =	sor.u32 $0xD0000000, s2;
	s6 =	simm.s32 $0x108;
	_ =	swait.ge @!p0 [sflag:s8], $0x0  }
0x24: {  	s3 =	sadd.s32 $0x88, s3;
	s6 =	simm.s32 @!p1 $0x1082;
	[sflag:s4] =	ssyncset.s32 $0xFFFFF086  }
0x25: {  	[simem:s6], [sflag:s4] =	dma.local [hbm:s3], $0xF7A  }
0x26: {  	[smem:$0x3F9E] =	sst s1;
	(tag) =	ssettag s2;
	_ =	strace s9  }
0x27: {  	s1 =	sld [smem:$0x3FAE]  }
0x28: {  	s2 =	sld [smem:$0x3FAF]  }
0x29: {  	s4 =	sld [smem:$0x3FB1]  }
0x2a: {  	p0 =	seq.s32 s5, $0x0;
	s5 =	sld [smem:$0x3FB2]  }
0x2b: {  	s6 =	sld [smem:$0x3FB3]  }
0x2c: {  	s7 =	sld [smem:$0x3FB4]  }
0x2d: {  	s3 =	simm.s32 $0x108;
	s8 =	sld [smem:$0x3FB5]  }
0x2e: {  	s3 =	simm.s32 @!p0 $0x1082;
	s9 =	sld [smem:$0x3FB6]  }
0x2f: {  	lr =	sadd.s32 s0, s3;
	s0 =	sld [smem:$0x3FAD]  }
0x30: {  	s3 =	sld [smem:$0x3FB0]  }
0x31: {  	[smem:$0x3FB9] =	sst s10  }
0x32: {  	s10 =	sld [smem:$0x3FB7];
	_ =	sdelay $0x3  }
0x33: {  	p0 =	seq.s32 s10, $0x1;
	s10 =	sld [smem:$0x3FB9];
	_ =	sdelay $0x3  }
0x34: {  	[smem:$0x3FB9] =	sst s10  }
0x35: {  	s10 =	sld [smem:$0x3FB8];
	_ =	sdelay $0x3  }
0x36: {  	p1 =	seq.s32 s10, $0x1;
	s10 =	sld [smem:$0x3FB9];
	_ =	sdelay $0x3  }
0x37: {  	[smem:$0x3FB9] =	sst s10  }
0x38: {  	s10 =	sld [smem:$0x3FBA]  }
0x39: {  	_ = 	snop;
	(pc) =	sbr.ind lr, $3  }
0x3a: {  	_ = 	snop  }
0x3b: {  	_ = 	snop  }
0x3c: {  	p2 =	seq.s32 s10, $0x1;
	s10 =	sld [smem:$0x3FB9]  }
0x3d: {  	_ =	shalt  }
0x3e: {  	_ =	shalt  }
0x3f: {  	_ =	shalt  }
0x40: {  	_ =	shalt  }
0x41: {  	_ =	shalt  }
0x42: {  	_ =	shalt  }
0x43: {  	_ =	shalt  }
0x44: {  	_ =	shalt  }
0x45: {  	_ =	shalt  }
0x46: {  	_ =	shalt  }
0x47: {  	_ =	shalt  }
0x48: {  	_ =	shalt  }
0x49: {  	_ =	shalt  }
0x4a: {  	_ =	shalt  }
0x4b: {  	_ =	shalt  }
0x4c: {  	_ =	shalt  }
0x4d: {  	_ =	shalt  }
0x4e: {  	_ =	shalt  }
0x4f: {  	_ =	shalt  }
0x50: {  	_ =	shalt  }
0x51: {  	_ =	shalt  }
0x52: {  	_ =	shalt  }
0x53: {  	_ =	shalt  }
0x54: {  	_ =	shalt  }
0x55: {  	_ =	shalt  }
0x56: {  	_ =	shalt  }
0x57: {  	_ =	shalt  }
0x58: {  	_ =	shalt  }
0x59: {  	_ =	shalt  }
0x5a: {  	_ =	shalt  }
0x5b: {  	_ =	shalt  }
0x5c: {  	_ =	shalt  }
0x5d: {  	_ =	shalt  }
0x5e: {  	_ =	shalt  }
0x5f: {  	_ =	shalt  }
0x60: {  	_ =	shalt  }
0x61: {  	_ =	shalt  }
0x62: {  	_ =	shalt  }
0x63: {  	_ =	shalt  }
0x64: {  	_ =	shalt  }
0x65: {  	_ =	shalt  }
0x66: {  	_ =	shalt  }
0x67: {  	_ =	shalt  }
0x68: {  	_ =	shalt  }
0x69: {  	_ =	shalt  }
0x6a: {  	_ =	shalt  }
0x6b: {  	_ =	shalt  }
0x6c: {  	_ =	shalt  }
0x6d: {  	_ =	shalt  }
0x6e: {  	_ =	shalt  }
0x6f: {  	_ =	shalt  }
0x70: {  	_ =	shalt  }
0x71: {  	_ =	shalt  }
0x72: {  	_ =	shalt  }
0x73: {  	_ =	shalt  }
0x74: {  	_ =	shalt  }
0x75: {  	_ =	shalt  }
0x76: {  	_ =	shalt  }
0x77: {  	_ =	shalt  }
0x78: {  	_ =	shalt  }
0x79: {  	_ =	shalt  }
0x7a: {  	_ =	shalt  }
0x7b: {  	_ =	shalt  }
0x7c: {  	_ =	shalt  }
0x7d: {  	_ =	shalt  }
0x7e: {  	_ =	shalt  }
0x7f: {  	_ =	shalt  }
0x80: {  	_ =	shalt  }
0x81: {  	_ =	shalt  }
0x82: {  	_ =	shalt  }
0x83: {  	_ =	shalt  }
0x84: {  	_ =	shalt  }
0x85: {  	_ =	shalt  }
0x86: {  	_ =	shalt  }
0x87: {  	_ =	shalt  }
.Lfunc_end0:
.L_simem_size_0:
called_computation_lowered:
.L_overlay_start_0:
0x88: {  	s2 =	sld [smem:$0x3FD9]  }
0x89: {  	s3 =	sld [smem:$0x3FFE];
	_ =	sdelay $0x1  }
0x8a: {  	s1 =	srdreg.scid  }
0x8b: {  	s0 =	sand.u32 $0x1, s1  }
0x8c: {  	s17 =	sshll.u32 s0, $0xA;
	s2 =	sadd.s32 s3, s2  }
0x8d: {  	s2 =	sadd.s32 s2, s17  }
0x8e: {  	[smem:$0x3FC5] =	sst s2  }
0x8f: {  	_ = 	snop  }
0x90: {  	s2 =	sld [smem:$0x3FC9]  }
0x91: {  	s18 =	sld [smem:$0x3FC7]  }
0x92: {  	s4 =	sld [smem:$0x3FD0];
	(tm) =	ssettm $0x1  }
0x93: {  	s5 =	sld [smem:$0x3FFB];
	_ =	sdelay $0x3  }
0x94: {  	_ =	strace s5  }
0x95: {  	s5 =	sld [smem:$0x3FFC];
	_ =	sdelay $0x3  }
0x96: {  	_ =	strace s5  }
0x97: {  	s5 =	sld [smem:$0x3FFD];
	_ =	sdelay $0x3  }
0x98: {  	_ =	strace s5  }
0x99: {  	_ =	strace $0x8FFFFFFF  }
0x9a: {  	s19 =	sld [smem:$0x3FDB];
	_ =	sdelay $0x1  }
0x9b: {  	s6 =	simm.s32 $_scs_section_size  }
0x9c: {  	s7 =	simm.s32 $_size__tile_overlayer_lowered;
	s8 =	simm.s32 $_tile_overlayer_lowered  }
0x9d: {  	s22 =	simm.s32 $0x1BFF;
	s21 =	sshll.u32 s8, $0x1;
	s5 =	sadd.s32 s6, s19  }
0x9e: {  	s9 =	simm.s32 $0x0;
	s20 =	sshll.u32 s7, $0x1;
	s7 =	sadd.s32 s21, s5  }
0x9f: {  	[timem:s9], [sflag:s22] =	dma.local [hbm:s7], s20  }
0xa0: {  	_ =	swait.ge [sflag:s22], s20  }
0xa1: {  	s6 =	ssub.s32 $0x0, s20;
	[sflag:s22] =	ssyncset.done $0x0  }
0xa2: {  	[sflag:s22] =	ssyncadd.s32 s6;
	_ =	sdelay $0x1  }
0xa3: {  	s23 =	simm.s32 $0x1B8B  }
0xa4: {  	_ =	swait.ge [sflag:s23], $0x1  }
0xa5: {  	[sflag:s23] =	ssyncset.done $0x0  }
0xa6: {  	s25 =	simm.s32 $0x1B8E;
	s24 =	sld [smem:$0x3FFE];
	[sflag:s23] =	ssyncadd.s32 $0xFFFFFFFF  }
0xa7: {  	s26 =	simm.s32 $execute0_lowered;
	[smem:$0x3FD2] =	sst s25  }
0xa8: {  	s7 =	sshll.u32 s26, $0x1;
	_ =	strace $0x80000046;
	[dreg:$0x1] =	wrdreg $0xFFFFFFFF  }
0xa9: {  	s28 =	simm.s32 $_size_execute0_lowered;
	s5 =	sadd.s32 s5, s7;
	[dreg:$0x0] =	wrdreg $0x0  }
0xaa: {  	s7 =	sshll.u32 s28, $0x1;
	[dreg:$0x2] =	wrdreg s5  }
0xab: {  	[dreg:$0x3] =	wrdreg s7  }
0xac: {  	[dreg:$0x4] =	wrdreg $0xC0  }
0xad: {  	_ =	task [dreg:s9], $0x5FFFF  }
0xae: {  	[dreg:$0x1] =	wrdreg $0xFFFFFFFF  }
0xaf: {  	[dreg:$0x0] =	wrdreg $0x60  }
0xb0: {  	[dreg:$0x2] =	wrdreg s18  }
0xb1: {  	[dreg:$0x3] =	wrdreg s2  }
0xb2: {  	[dreg:$0x4] =	wrdreg s24  }
0xb3: {  	[dreg:$0x5] =	wrdreg s4  }
0xb4: {  	[dreg:$0x6] =	wrdreg $0x1C7800  }
0xb5: {  	[dreg:$0x7] =	wrdreg $0x9  }
0xb6: {  	_ =	task.clear_ibuf [dreg:s9], $0x8FFFF;
	_ =	strace $0x90000046  }
0xb7: {  	s29 =	simm.s32 $0x9;
	_ =	strace $0x80000048  }
0xb8: {  	_ =	swait.ge [sflag:s29], $0x1  }
0xb9: {  	[sflag:s29] =	ssyncadd.s32 $0xFFFFFFFF  }
0xba: {  	_ =	strace $0x90000048  }
0xbb: {  	_ =	sfence  }
0xbc: {  	s30 =	sld [smem:$0x0];
	_ =	sdelay $0x2  }
0xbd: {  	s31 =	sshll.u32 s1, $0xD;
	s1 =	sshrl.u32 s1, $0x2  }
0xbe: {  	s3 =	sand.u32 $0x4000, s31;
	s1 =	sadd.s32 s1, s30  }
0xbf: {  	s0 =	sor.u32 s3, s0;
	s1 =	sshll.u32 s1, $0x11  }
0xc0: {  	s0 =	sor.u32 s1, s0  }
0xc1: {  	s0 =	sadd.s32 $0x8F2B, s0  }
0xc2: {  	[sflag:s0] =	ssyncadd.remote.s32 $0x1  }
0xc3: {  	_ =	sfence.sel $0xFFFF  }
0xc4: {  	[dreg:$0x0] =	wrdreg $0xFFFFFFFF;
	(pc) =	sbr.abs _section_cstart, $3  }
0xc5: {  	[dreg:$0x1] =	wrdreg $0xFFFFFFFF  }
0xc6: {  	_ =	task.clear_ibuf [dreg:s9], $0x2FFFF;
	_ =	strace $0x9FFFFFFF  }
0xc7: {  	(tm) =	ssettm $0x7FFFFFFF  }
tec
execute0_lowered:
.L_overlay_start_1:
0x0: {  	(tag) =	ssettag $0x1  }
0x1: {  	s0 =	rddreg [dreg:$0x0]  }
0x2: {  	s2 =	rddreg [dreg:$0x1]  }
0x3: {  	s1 =	rddreg [dreg:$0x2]  }
0x4: {  	s3 =	rddreg [dreg:$0x3]  }
0x5: {  	s4 =	rddreg [dreg:$0x4];
	s6 =	srdreg.scid  }
0x6: {  	s5 =	simm.s32 $0x0;
	s11 =	stileid.u32;
	s12 =	simm.s32 $0x7  }
0x7: {  	s13 =	simm.s32 $0x80;
	s14 =	simm.s32 $0x400;
	s16 =	simm.s32 $0x18780  }
0x8: {  	s17 =	simm.s32 $0x19780;
	s18 =	simm.s32 $0x1;
	s19 =	simm.s32 $0x2  }
0x9: {  	s21 =	simm.s32 $0x3;
	s22 =	simm.s32 $0x5;
	s23 =	simm.s32 $0x1B780  }
0xa: {  	s24 =	simm.s32 $0x4;
	s25 =	simm.s32 $0x0;
	s7 =	sand.u32 $0x1, s6  }
0xb: {  	[smem:$0x7FF] =	sst s5;
	s10 =	sshll.u32 s11, $0x1;
	s6 =	sadd.s32 $0x400, s1  }
0xc: {  	s30 =	sshll.u32 s11, $0x11;
	p0 =	sne.s32 s11, $0x0;
	s11 =	simm.s32 $0x18700  }
.Ltmp0:
0xd: {  	s8 =	ssub.s32 $0x2, s7;
	_ =	strace $0x80000047;
	(pc) =	sbr.rel .LBB2_1-.Ltmp0, $4  }
0xe: {  	s29 =	sor.u32 s7, s10;
	s7 =	sand.u32 $0x10, s10;
	s15 =	sshrl.u32 @!p0 s4, $0x3  }
0xf: {  	s9 =	sshrl.u32 s8, $0x1;
	s31 =	sshll.u32 s29, $0x7;
	s20 =	ssub.s32 s29, s7  }
0x10: {  	v1 =	vlaneseq.u32;
	s28 =	ssub.s32 s8, s9;
	s8 =	sadd.s32 $0x1000, s4;
	s9 =	sor.u32 s30, s31;
	v0 =	vmov s20  }
0x11: {  	s20 =	simm.s32 $0x1A780;
	s9 =	sand.u32 $0x180380, s9;
	s10 =	smax.u32 s28, $0x1;
	vm0 =	veq.s32 v0, v1  }
.LBB2_12:
0x12: {  	s25 =	sadd.s32 $0x1, s25  }
0x13: {  	_ =	swait.ge [sflag:s24], $0x1000;
	p1 =	sne.s32 s25, s10  }
.Ltmp1:
0x14: {  	[sflag:s24] =	ssyncset.done $0x0;
	(pc) =	sbr.rel @!p1 .LBB2_13-.Ltmp1, $4  }
0x15: {  	[sflag:s24] =	ssyncadd.s32 $0xFFFFF000  }
0x16: {  	_ =	swait.ge [sflag:s22], $0x1000  }
0x17: {  	[sflag:s22] =	ssyncset.done $0x0  }
0x18: {  	[sflag:s22] =	ssyncadd.s32 $0xFFFFF000  }
.LBB2_1:
0x19: {  	[tilespmem:s11], [sflag:$0x7] =	stream.linear.gather [hbm4b:s6+s5], $0x80, $0x38;
	[tilespmem:$0x1D780] =	vst v63  }
0x1a: {  	_ =	swait.ge [sflag:s12], $0x80  }
0x1b: {  	[sflag:s12] =	ssyncset.done $0x0  }
0x1c: {  	[sflag:s12] =	ssyncadd.s32 $0xFFFFFF80  }
0x1d: {  	v0 =	vld [tilespmem:s7+$0x18700];
	_ =	sdelay $0x4  }
0x1e: {  	v0 =	vnsel vm0, $0x0, v0  }
0x1f: {  	(xrf0) =	vadd.scan.msk.s32 $0xffff, v0;
	_ =	sdelay $0x5  }
0x20: {  	v0, _, _ =	vpop (xrf0)  }
0x21: {  	(v2sf) =	vpush v0, $0xF;
	_ =	sdelay $0xe  }
0x22: {  	s1 =	spop (v2sf)  }
0x23: {  	s26 =	sshrl.u32 s1, $0x3  }
0x24: {  	s1 =	sshll.u32 s1, $0x7;
	s26 =	smul.u32 $0xC3800, s26  }
0x25: {  	s1 =	sand.u32 $0x380, s1  }
0x26: {  	s1 =	sor.u32 s1, s26  }
0x27: {  	s1 =	sshrl.u32 s1, $0x3  }
0x28: {  	s1 =	sadd.s32 s0, s1  }
0x29: {  	[tilespmem:s5], [sflag:$0x1] =	stream.strided.gather [hbm4b:s1+s13], $0x18700, s14, s13, $0x38;
	[tilespmem:$0x1D780] =	vst v63  }
0x2a: {  	s1 =	simm.s32 @!p0 $0x1C06  }
0x2b: {  	[spmem:s15], [sflag:s1] =	dma.local @!p0 [hbm:s2], $0x2000  }
0x2c: {  	s1 =	simm.s32 @!p0 $0x6  }
0x2d: {  	_ =	swait.ge @!p0 [sflag:s1], $0x2000  }
0x2e: {  	[sflag:s1] =	ssyncset.done @!p0 $0x0  }
0x2f: {  	[sflag:s1] =	ssyncadd.s32 @!p0 $0xFFFFE000  }
0x30: {  	[bflag:$0x0] =	sbarrier.arrive $0xFFFF  }
0x31: {  	[tilespmem:s16], [sflag:$0x2] =	stream.linear.gather [spmem:s4], $0x1000, $0x38;
	[tilespmem:$0x1D780] =	vst v63  }
0x32: {  	_ = 	snop  }
0x33: {  	[tilespmem:s17], [sflag:$0x3] =	stream.linear.gather [spmem:s8], $0x1000, $0x38;
	[tilespmem:$0x1D780] =	vst v63  }
0x34: {  	_ =	swait.ge [sflag:s18], $0x18700  }
0x35: {  	[sflag:s18] =	ssyncset.done $0x0  }
0x36: {  	s26 =	simm.s32 $0x0;
	[sflag:s18] =	ssyncadd.s32 $0xFFFE7900  }
.LBB2_2:
0x37: {  	_ =	swait.ge [sflag:s19], $0x1000  }
0x38: {  	p1 =	seq.s32 s26, $0x0;
	[sflag:s19] =	ssyncset.done $0x0  }
0x39: {  	s1 =	simm.s32 @!p1 $0x4;
	[sflag:s19] =	ssyncadd.s32 $0xFFFFF000  }
0x3a: {  	_ =	swait.ge @!p1 [sflag:s1], $0x1000  }
0x3b: {  	[sflag:s1] =	ssyncset.done @!p1 $0x0  }
0x3c: {  	[sflag:s1] =	ssyncadd.s32 @!p1 $0xFFFFF000;
	s1 =	simm.s32 $0x187C0  }
0x3d: {  	v0 =	vld [tilespmem:s1+$0x30]  }
0x3e: {  	v1 =	vld [tilespmem:s1+$0xFFFFFFD0]  }
0x3f: {  	v2 =	vld [tilespmem:s1+$0xFFFFFFE0]  }
0x40: {  	v3 =	vld [tilespmem:s1+$0xFFFFFFF0]  }
0x41: {  	v6 =	vld [tilespmem:s1+$0x0]  }
0x42: {  	v7 =	vld [tilespmem:s1+$0x10]  }
0x43: {  	v8 =	vld [tilespmem:s1+$0x20]  }
0x44: {  	v9 =	vld [tilespmem:s1+$0xFFFFFFC0]  }
0x45: {  	v10 =	vld.idx.msk [tilespmem:v0+s5+$0x0], $0xffff  }
0x46: {  	v11 =	vld.idx.msk [tilespmem:v1+s5+$0x0], $0xffff  }
0x47: {  	v5 =	vld.idx.msk [tilespmem:v2+s5+$0x0], $0xffff  }
0x48: {  	v4 =	vld.idx.msk [tilespmem:v3+s5+$0x0], $0xffff  }
0x49: {  	v2 =	vld.idx.msk [tilespmem:v6+s5+$0x0], $0xffff  }
0x4a: {  	s30 =	simm.s32 $0x1A7C0;
	v1 =	vld.idx.msk [tilespmem:v7+s5+$0x0], $0xffff  }
0x4b: {  	v0 =	vld.idx.msk [tilespmem:v8+s5+$0x0], $0xffff;
	[tilespmem:s30+$0x30] =	vst v10  }
0x4c: {  	s28 =	sshll.u32 s26, $0xF;
	s29 =	simm.s32 $0x0;
	s31 =	simm.s32 $0x18840;
	v3 =	vld.idx.msk [tilespmem:v9+s5+$0x0], $0xffff;
	[tilespmem:s30+$0xFFFFFFD0] =	vst v11  }
.LBB2_3:
0x4d: {  	v6 =	vld [tilespmem:s31+$0x30];
	s29 =	sadd.s32 $0x80, s29;
	[tilespmem:s30+$0xFFFFFFE0] =	vst v5  }
0x4e: {  	v5 =	vld [tilespmem:s31+$0xFFFFFFD0];
	p2 =	slt.u32 s29, $0xF80;
	[tilespmem:s30+$0xFFFFFFF0] =	vst v4  }
0x4f: {  	v4 =	vld [tilespmem:s31+$0xFFFFFFE0];
	[tilespmem:s30+$0x0] =	vst v2  }
0x50: {  	v2 =	vld [tilespmem:s31+$0xFFFFFFF0];
	[tilespmem:s30+$0x10] =	vst v1  }
0x51: {  	v1 =	vld [tilespmem:s31+$0x0];
	[tilespmem:s30+$0x20] =	vst v0  }
0x52: {  	v0 =	vld [tilespmem:s31+$0x10];
	[tilespmem:s30+$0xFFFFFFC0] =	vst v3  }
0x53: {  	v3 =	vld [tilespmem:s31+$0x20]  }
0x54: {  	v7 =	vld [tilespmem:s31+$0xFFFFFFC0]  }
0x55: {  	v6 =	vld.idx.msk [tilespmem:v6+s5+$0x0], $0xffff  }
0x56: {  	v8 =	vld.idx.msk [tilespmem:v5+s5+$0x0], $0xffff  }
0x57: {  	v5 =	vld.idx.msk [tilespmem:v4+s5+$0x0], $0xffff  }
.Ltmp2:
0x58: {  	v4 =	vld.idx.msk [tilespmem:v2+s5+$0x0], $0xffff;
	(pc) =	sbr.rel @p2 .LBB2_3-.Ltmp2, $4  }
0x59: {  	v2 =	vld.idx.msk [tilespmem:v1+s5+$0x0], $0xffff  }
0x5a: {  	s30 =	sadd.s32 $0x80, s30;
	v1 =	vld.idx.msk [tilespmem:v0+s5+$0x0], $0xffff  }
0x5b: {  	v0 =	vld.idx.msk [tilespmem:v3+s5+$0x0], $0xffff;
	[tilespmem:s30+$0x30] =	vst v6  }
0x5c: {  	s31 =	sadd.s32 $0x80, s31;
	v3 =	vld.idx.msk [tilespmem:v7+s5+$0x0], $0xffff;
	[tilespmem:s30+$0xFFFFFFD0] =	vst v8  }
0x5d: {  	[tilespmem:s30+$0xFFFFFFE0] =	vst v5  }
0x5e: {  	[tilespmem:s30+$0xFFFFFFF0] =	vst v4;
	p2 =	sne.s32 s26, $0x7  }
.Ltmp3:
0x5f: {  	s1 =	sshll.u32 s26, $0x10;
	[tilespmem:s30+$0x0] =	vst v2;
	(pc) =	sbr.rel @p2 .LBB2_6-.Ltmp3, $4  }
0x60: {  	s1 =	sor.u32 s1, s9;
	[tilespmem:s30+$0x10] =	vst v1  }
0x61: {  	s29 =	sshrl.u32 s1, $0x3;
	[tilespmem:s30+$0x20] =	vst v0  }
0x62: {  	s1 =	sadd.s32 s3, s29;
	[tilespmem:s30+$0xFFFFFFC0] =	vst v3  }
0x63: {  	[hbm4b:s1+s13] =	stream.strided.scatter [tilespmem:s20], [sflag:$0x4], $0x1000, s14, s13, $0x38;
	[tilespmem:$0x1D780] =	vst v63  }
.Ltmp4:
0x64: {  	(pc) =	sbr.rel .LBB2_7-.Ltmp4, $4  }
0x65: {  	_ = 	snop  }
0x66: {  	_ =	swait.ge [sflag:s21], $0x1000  }
0x67: {  	[sflag:s21] =	ssyncset.done $0x0  }
0x68: {  	[sflag:s21] =	ssyncadd.s32 $0xFFFFF000  }
.LBB2_6:
0x69: {  	s1 =	sshrl.u32 s28, $0x2  }
0x6a: {  	s1 =	sadd.s32 s1, s4  }
.Ltmp5:
0x6b: {  	s1 =	sadd.s32 $0x2000, s1;
	(pc) =	sbr.rel @p1 .LBB2_8-.Ltmp5, $4  }
0x6c: {  	[tilespmem:s16], [sflag:$0x2] =	stream.linear.gather [spmem:s1], $0x1000, $0x38;
	[tilespmem:$0x1D780] =	vst v63  }
0x6d: {  	_ =	swait.ge [sflag:s21], $0x1000  }
0x6e: {  	[sflag:s21] =	ssyncset.done $0x0  }
0x6f: {  	[sflag:s21] =	ssyncadd.s32 $0xFFFFF000  }
.LBB2_7:
0x70: {  	_ =	swait.ge [sflag:s22], $0x1000  }
0x71: {  	[sflag:s22] =	ssyncset.done $0x0  }
0x72: {  	[sflag:s22] =	ssyncadd.s32 $0xFFFFF000  }
.LBB2_8:
0x73: {  	s1 =	simm.s32 $0x197C0  }
0x74: {  	v0 =	vld [tilespmem:s1+$0x30]  }
0x75: {  	v1 =	vld [tilespmem:s1+$0xFFFFFFD0]  }
0x76: {  	v2 =	vld [tilespmem:s1+$0xFFFFFFE0]  }
0x77: {  	v3 =	vld [tilespmem:s1+$0xFFFFFFF0]  }
0x78: {  	v4 =	vld [tilespmem:s1+$0x0]  }
0x79: {  	v6 =	vld [tilespmem:s1+$0x10]  }
0x7a: {  	v7 =	vld [tilespmem:s1+$0x20]  }
0x7b: {  	v8 =	vld [tilespmem:s1+$0xFFFFFFC0]  }
0x7c: {  	v9 =	vld.idx.msk [tilespmem:v0+s5+$0x0], $0xffff  }
0x7d: {  	v10 =	vld.idx.msk [tilespmem:v1+s5+$0x0], $0xffff  }
0x7e: {  	v5 =	vld.idx.msk [tilespmem:v2+s5+$0x0], $0xffff  }
0x7f: {  	v3 =	vld.idx.msk [tilespmem:v3+s5+$0x0], $0xffff  }
0x80: {  	v0 =	vld.idx.msk [tilespmem:v4+s5+$0x0], $0xffff  }
0x81: {  	s30 =	simm.s32 $0x1B7C0;
	v1 =	vld.idx.msk [tilespmem:v6+s5+$0x0], $0xffff  }
0x82: {  	v2 =	vld.idx.msk [tilespmem:v7+s5+$0x0], $0xffff;
	[tilespmem:s30+$0x30] =	vst v9  }
0x83: {  	s31 =	simm.s32 $0x0;
	s1 =	simm.s32 $0x19840;
	v4 =	vld.idx.msk [tilespmem:v8+s5+$0x0], $0xffff;
	[tilespmem:s30+$0xFFFFFFD0] =	vst v10  }
.LBB2_9:
0x84: {  	v6 =	vld [tilespmem:s1+$0x30];
	s31 =	sadd.s32 $0x80, s31;
	[tilespmem:s30+$0xFFFFFFE0] =	vst v5  }
0x85: {  	v5 =	vld [tilespmem:s1+$0xFFFFFFD0];
	p1 =	slt.u32 s31, $0xF80;
	[tilespmem:s30+$0xFFFFFFF0] =	vst v3  }
0x86: {  	v3 =	vld [tilespmem:s1+$0xFFFFFFE0];
	[tilespmem:s30+$0x0] =	vst v0  }
0x87: {  	v0 =	vld [tilespmem:s1+$0xFFFFFFF0];
	[tilespmem:s30+$0x10] =	vst v1  }
0x88: {  	v1 =	vld [tilespmem:s1+$0x0];
	[tilespmem:s30+$0x20] =	vst v2  }
0x89: {  	v2 =	vld [tilespmem:s1+$0x10];
	[tilespmem:s30+$0xFFFFFFC0] =	vst v4  }
0x8a: {  	v4 =	vld [tilespmem:s1+$0x20]  }
0x8b: {  	v7 =	vld [tilespmem:s1+$0xFFFFFFC0]  }
0x8c: {  	v6 =	vld.idx.msk [tilespmem:v6+s5+$0x0], $0xffff  }
0x8d: {  	v8 =	vld.idx.msk [tilespmem:v5+s5+$0x0], $0xffff  }
0x8e: {  	v5 =	vld.idx.msk [tilespmem:v3+s5+$0x0], $0xffff  }
.Ltmp6:
0x8f: {  	v3 =	vld.idx.msk [tilespmem:v0+s5+$0x0], $0xffff;
	(pc) =	sbr.rel @p1 .LBB2_9-.Ltmp6, $4  }
0x90: {  	v0 =	vld.idx.msk [tilespmem:v1+s5+$0x0], $0xffff  }
0x91: {  	s30 =	sadd.s32 $0x80, s30;
	v1 =	vld.idx.msk [tilespmem:v2+s5+$0x0], $0xffff  }
0x92: {  	v2 =	vld.idx.msk [tilespmem:v4+s5+$0x0], $0xffff;
	[tilespmem:s30+$0x30] =	vst v6  }
0x93: {  	s1 =	sadd.s32 $0x80, s1;
	v4 =	vld.idx.msk [tilespmem:v7+s5+$0x0], $0xffff;
	[tilespmem:s30+$0xFFFFFFD0] =	vst v8  }
0x94: {  	[tilespmem:s30+$0xFFFFFFE0] =	vst v5  }
0x95: {  	[tilespmem:s30+$0xFFFFFFF0] =	vst v3;
	p1 =	seq.s32 s26, $0x7  }
.Ltmp7:
0x96: {  	[tilespmem:s30+$0x0] =	vst v0;
	(pc) =	sbr.rel @p1 .LBB2_12-.Ltmp7, $4  }
0x97: {  	[tilespmem:s30+$0x10] =	vst v1  }
0x98: {  	s1 =	sadd.s32 s29, s3;
	[tilespmem:s30+$0x20] =	vst v2  }
0x99: {  	s1 =	sadd.s32 $0x1000, s1;
	[tilespmem:s30+$0xFFFFFFC0] =	vst v4  }
0x9a: {  	[hbm4b:s1+s13] =	stream.strided.scatter [tilespmem:s23], [sflag:$0x5], $0x1000, s14, s13, $0x38;
	[tilespmem:$0x1D780] =	vst v63  }
.Ltmp8:
0x9b: {  	(pc) =	sbr.rel .LBB2_2-.Ltmp8, $4  }
0x9c: {  	s1 =	sshrl.u32 s28, $0x2  }
0x9d: {  	s1 =	sadd.s32 s1, s4  }
0x9e: {  	s26 =	sadd.s32 $0x1, s26;
	s1 =	sadd.s32 $0x3000, s1  }
0x9f: {  	[tilespmem:s17], [sflag:$0x3] =	stream.linear.gather [spmem:s1], $0x1000, $0x38;
	[tilespmem:$0x1D780] =	vst v63  }
.LBB2_13:
0xa0: {  	_ =	sfence.sel $0x180000  }
0xa1: {  	[bflag:$0x0] =	sbarrier.arrive $0xFFFF  }
0xa2: {  	_ =	strace $0x90000047  }
0xa3: {  	[bflag:$0x2] =	sbarrier.arrive $0xFFFF  }
0xa4: {  	s0 =	rddreg [dreg:$0x5]  }
0xa5: {  	s0 =	sadd.s32 @!p0 $0x100000, s0  }
0xa6: {  	[sflag:s0] =	ssyncadd.tile.s32 @!p0 $0x1;
	_ =	shalt  }
.Lfunc_end2:
_tile_overlayer_lowered:
.L_overlay_start_2:
0xa7: {  	(tag) =	ssettag $0x2  }
0xa8: {  	s0 =	rddreg [dreg:$0x0];
	s2 =	stileid.u32  }
0xa9: {  	s1 =	rddreg [dreg:$0x1];
	p0 =	sne.s32 s2, $0x0  }
0xaa: {  	s3 =	rddreg [dreg:$0x2];
	[bflag:$0x3] =	sbarrier.arrive $0xFFFF;
	s2 =	simm.s32 @!p0 $0x1C07  }
0xab: {  	[timem:s3], [sflag:s2] =	dma.local @!p0 [hbm:s0], s1  }
0xac: {  	s0 =	simm.s32 @!p0 $0x7  }
0xad: {  	_ =	swait.ge @!p0 [sflag:s0], s1  }
0xae: {  	s1 =	ssub.s32 @!p0 $0x0, s1;
	[sflag:s0] =	ssyncset.done @!p0 $0x0  }
0xaf: {  	[sflag:s0] =	ssyncadd.s32 @!p0 s1  }
0xb0: {  	[bflag:$0x3] =	sbarrier.arrive $0xFFFF  }
0xb1: {  	_ =	shalt  }

</sc_bundles>
